<compile_context>
chip_gen: v7x
topology: tpu7x:2x2x1
jax: 0.10.2.dev20260603
libtpu: 0.0.44.dev20260713+nightly
codegen_flags: <defaults>
</compile_context>

<pallas_src>
import jax
import jax.numpy as jnp
from jax import lax
from jax.experimental import pallas as pl
from jax.experimental.pallas import tpu as pltpu
from jax.experimental.pallas import tpu_sc as plsc

_ROWS = 1024
_NOUT = 50
_STRIDE = 2000
_NPAD = 64
_NCHUNK = 4
_CW = _ROWS // _NCHUNK


def _gather_body(xt_hbm, out_hbm, rows_v, sem):
    wid = lax.axis_index("s")
    g = wid // _NCHUNK
    ch = wid % _NCHUNK
    idx = jnp.minimum(lax.iota(jnp.int32, 16) + g * 16, _NOUT - 1) * _STRIDE
    pltpu.async_copy(
        xt_hbm.at[idx, pl.ds(ch * _CW, _CW)], rows_v, sem).wait()
    pltpu.sync_copy(
        rows_v, out_hbm.at[pl.ds(g * 16, 16), pl.ds(ch * _CW, _CW)])


@jax.jit
def kernel(inputs):
    xt = inputs.T
    k = pl.kernel(
        _gather_body,
        out_type=jax.ShapeDtypeStruct((_NPAD, _ROWS), jnp.float32),
        mesh=plsc.VectorSubcoreMesh(
            core_axis_name="c", subcore_axis_name="s", num_cores=1),
        scratch_types=[
            pltpu.VMEM((16, _CW), jnp.float32),
            pltpu.SemaphoreType.DMA,
        ],
    )
    return k(xt)[:_NOUT].T

# --- scband reference (transcript-rebuilt; emitter-appended) ---
"""Pipeline reference for scband-gather-layer-18545668784558 (READ-ONLY COPY).

The authoritative reference and input builder live on the scoring server;
editing this copy changes nothing except your own understanding.
"""

import jax, jax.numpy as jnp
import numpy as np

INDICES = jnp.arange(0, 100000, 2000, dtype=jnp.int32)  # 50 constant indices stored in __init__


def setup_inputs(seed: int = 0) -> dict:
    key = jax.random.key(seed)
    inputs = jax.random.normal(key, (1024, 100000), dtype=jnp.float32)
    return {"inputs": inputs}


def reference(inputs):
    # Faithful translation of tf.gather(inputs, tf.cast(self.indices, tf.int32), axis=1)
    return jnp.take(inputs, INDICES, axis=1)

if __name__ == "__main__":
    import jax
    _d = setup_inputs()
    print(jax.jit(kernel)(*tuple(_d.values())))

</pallas_src>

<mosaic_0001>
#map = affine_map<(d0, d1) -> (0, 0)>
module attributes {stable_mosaic.version = 14 : i64} {
  func.func @_gather_body(%arg0: i32, %arg1: i32, %arg2: memref<100000x1024xf32, #tpu.memory_space<hbm>>, %arg3: memref<64x1024xf32, #tpu.memory_space<hbm>>, %arg4: memref<16x256xf32, #tpu.memory_space<vmem>>, %arg5: memref<!tpu.dma_semaphore, #tpu.memory_space<semaphore_mem>>) attributes {dimension_semantics = [#tpu.dimension_semantics<core_parallel>, #tpu.dimension_semantics<subcore_parallel>], iteration_bounds = array<i64: 1, 16>, scalar_prefetch = 0 : i64, scratch_operands = 2 : i64, tpu.core_type = #tpu.core_type<sc_vector_subcore>, window_params = [{transform_indices = #map}, {transform_indices = #map}]} {
    %jit3A = arith.constant 4 : i32
    %div3A = arith.divsi %arg1, %jit3A : i32
    %sign3A = arith.constant 0 : i32
    %sign3A_0 = arith.cmpi sgt, %arg1, %sign3A : i32
    %sign3A_1 = arith.extui %sign3A_0 : i1 to i32
    %sign3A_2 = arith.constant 0 : i32
    %sign3A_3 = arith.cmpi slt, %arg1, %sign3A_2 : i32
    %sign3A_4 = arith.extui %sign3A_3 : i1 to i32
    %sign3A_5 = arith.subi %sign3A_1, %sign3A_4 : i32
    %sign3A_6 = arith.constant 0 : i32
    %sign3A_7 = arith.cmpi sgt, %jit3A, %sign3A_6 : i32
    %sign3A_8 = arith.extui %sign3A_7 : i1 to i32
    %sign3A_9 = arith.constant 0 : i32
    %sign3A_10 = arith.cmpi slt, %jit3A, %sign3A_9 : i32
    %sign3A_11 = arith.extui %sign3A_10 : i1 to i32
    %sign3A_12 = arith.subi %sign3A_8, %sign3A_11 : i32
    %ne3A = arith.cmpi ne, %sign3A_5, %sign3A_12 : i32
    %rem3A = arith.remsi %arg1, %jit3A : i32
    %ne3A_13 = arith.constant 0 : i32
    %ne3A_14 = arith.cmpi ne, %rem3A, %ne3A_13 : i32
    %and3A = arith.andi %ne3A, %ne3A_14 : i1
    %sub3A = arith.constant 1 : i32
    %sub3A_15 = arith.subi %div3A, %sub3A : i32
    %select_n3A = arith.select %and3A, %sub3A_15, %div3A : i32
    %jit3A_16 = arith.constant 4 : i32
    %eq3A = arith.constant 0 : i32
    %eq3A_17 = arith.cmpi eq, %jit3A_16, %eq3A : i32
    %jit3A_18 = arith.constant 1 : i32
    %select_n3A_19 = arith.select %eq3A_17, %jit3A_18, %jit3A_16 : i32
    %rem3A_20 = arith.remsi %arg1, %select_n3A_19 : i32
    %ne3A_21 = arith.constant 0 : i32
    %ne3A_22 = arith.cmpi ne, %rem3A_20, %ne3A_21 : i32
    %lt3A = arith.constant 0 : i32
    %lt3A_23 = arith.cmpi slt, %rem3A_20, %lt3A : i32
    %lt3A_24 = arith.constant 0 : i32
    %lt3A_25 = arith.cmpi slt, %select_n3A_19, %lt3A_24 : i32
    %ne3A_26 = arith.xori %lt3A_23, %lt3A_25 : i1
    %and3A_27 = arith.andi %ne3A_26, %ne3A_22 : i1
    %add3A = arith.addi %rem3A_20, %select_n3A_19 : i32
    %select_n3A_28 = arith.select %and3A_27, %add3A, %rem3A_20 : i32
    %iota3A = tpu.iota {dimensions = array<i32: 0>} : vector<16xi32>
    %mul3A = arith.constant 16 : i32
    %mul3A_29 = arith.muli %select_n3A, %mul3A : i32
    %add3A_30 = vector.broadcast %mul3A_29 : i32 to vector<16xi32>
    %add3A_31 = arith.addi %iota3A, %add3A_30 : vector<16xi32>
    %min3A = arith.constant 49 : i32
    %min3A_32 = vector.broadcast %min3A : i32 to vector<16xi32>
    %min3A_33 = arith.minsi %add3A_31, %min3A_32 : vector<16xi32>
    %mul3A_34 = arith.constant 2000 : i32
    %mul3A_35 = vector.broadcast %mul3A_34 : i32 to vector<16xi32>
    %mul3A_36 = arith.muli %min3A_33, %mul3A_35 : vector<16xi32>
    %mul3A_37 = arith.constant 256 : i32
    %mul3A_38 = arith.muli %select_n3A_28, %mul3A_37 : i32
    %dma_start3A = arith.constant 0 : i32
    %dma_start3A_39 = tpu.memref_slice %arg2[%dma_start3A, %mul3A_38] : memref<100000x1024xf32, #tpu.memory_space<hbm>> -> memref<100000x256xf32, #tpu.memory_space<hbm>>
    tpu.enqueue_indirect_dma source(%dma_start3A_39 : memref<100000x256xf32, #tpu.memory_space<hbm>>) target(%arg4 : memref<16x256xf32, #tpu.memory_space<vmem>>) offsets(%mul3A_36 : vector<16xi32>) semaphore(%arg5 : memref<!tpu.dma_semaphore, #tpu.memory_space<semaphore_mem>>)
    %dma_wait3A = arith.constant 0 : i32
    %dma_wait3A_40 = tpu.memref_slice %arg2[%dma_wait3A, %mul3A_38] : memref<100000x1024xf32, #tpu.memory_space<hbm>> -> memref<100000x256xf32, #tpu.memory_space<hbm>>
    tpu.wait_indirect_dma semaphore(%arg5 : memref<!tpu.dma_semaphore, #tpu.memory_space<semaphore_mem>>) src(%dma_wait3A_40 : memref<100000x256xf32, #tpu.memory_space<hbm>>) dst(%arg4 : memref<16x256xf32, #tpu.memory_space<vmem>>)
    %mul3A_41 = arith.constant 16 : i32
    %mul3A_42 = arith.muli %select_n3A, %mul3A_41 : i32
    %mul3A_43 = arith.constant 256 : i32
    %mul3A_44 = arith.muli %select_n3A_28, %mul3A_43 : i32
    "tpu.region"() ({
      %run_scoped3A = tpu.sem_alloc : memref<!tpu.dma_semaphore, #tpu.memory_space<semaphore_mem>>
      %dma_start3A_45 = tpu.memref_slice %arg3[%mul3A_42, %mul3A_44] : memref<64x1024xf32, #tpu.memory_space<hbm>> -> memref<16x256xf32, #tpu.memory_space<hbm>>
      %dma_start3A_46 = tpu.memref_slice %arg3[%mul3A_42, %mul3A_44] : memref<64x1024xf32, #tpu.memory_space<hbm>> -> memref<16x256xf32, #tpu.memory_space<hbm>>
      tpu.enqueue_dma source(%arg4 : memref<16x256xf32, #tpu.memory_space<vmem>>) target(%dma_start3A_46 : memref<16x256xf32, #tpu.memory_space<hbm>>) target_semaphore(%run_scoped3A : memref<!tpu.dma_semaphore, #tpu.memory_space<semaphore_mem>>)
      %dma_wait3A_47 = tpu.memref_slice %arg3[%mul3A_42, %mul3A_44] : memref<64x1024xf32, #tpu.memory_space<hbm>> -> memref<16x256xf32, #tpu.memory_space<hbm>>
      %dma_wait3A_48 = tpu.memref_slice %arg3[%mul3A_42, %mul3A_44] : memref<64x1024xf32, #tpu.memory_space<hbm>> -> memref<16x256xf32, #tpu.memory_space<hbm>>
      tpu.wait_dma2 semaphore(%run_scoped3A : memref<!tpu.dma_semaphore, #tpu.memory_space<semaphore_mem>>) src(%arg4 : memref<16x256xf32, #tpu.memory_space<vmem>>) dst(%dma_wait3A_48 : memref<16x256xf32, #tpu.memory_space<hbm>>)
      tpu.yield
    }) : () -> ()
    return
  }
}

</mosaic_0001>

<sc_bundles>
// kernel: kernel.3.cloned.1.call-start
scs
__scs_entry_jumppad:
0x0: {  	(pc) =	sbr.rel $0x88, $3  }
0x1: {  	(tag) =	ssettag $0x0;
	lr =	simm.s32 $0x1  }
0x2: {  	[smem:$0x3FA0] =	sst lr;
	_ =	strace $0xD0000000  }
0x3: {  	_ = 	snop  }
0x4: {  	_ = 	snop  }
0x5: {  	_ = 	snop  }
0x6: {  	_ = 	snop  }
0x7: {  	_ = 	snop  }
__scs_overlays_trampoline_lowered:
0x8: {  	[smem:$0x3FAF] =	sst s0  }
0x9: {  	[smem:$0x3FB0] =	sst s1  }
0xa: {  	[smem:$0x3FB1] =	sst s2  }
0xb: {  	[smem:$0x3FB2] =	sst s3  }
0xc: {  	[smem:$0x3FB3] =	sst s4  }
0xd: {  	[smem:$0x3FB4] =	sst s5  }
0xe: {  	[smem:$0x3FB5] =	sst s6  }
0xf: {  	[smem:$0x3FB6] =	sst s7  }
0x10: {  	[smem:$0x3FB7] =	sst s8  }
0x11: {  	[smem:$0x3FB8] =	sst s9;
	s0 =	simm.s32 @!p0 $0x0  }
0x12: {  	s1 =	sld [smem:$0x3F9E];
	s0 =	simm.s32 @p0 $0x1  }
0x13: {  	[smem:$0x3FB9] =	sst s0;
	s0 =	simm.s32 @!p1 $0x0  }
0x14: {  	s2 =	sld [smem:$0x3F9D];
	s0 =	simm.s32 @p1 $0x1  }
0x15: {  	[smem:$0x3FBA] =	sst s0;
	s0 =	simm.s32 @!p2 $0x0  }
0x16: {  	s3 =	sld [smem:$0x3FDB];
	s0 =	simm.s32 @p2 $0x1  }
0x17: {  	s4 =	simm.s32 $0x1BF5;
	[smem:$0x3FBC] =	sst s0  }
0x18: {  	s0 =	sld [smem:$0x3F9F];
	_ =	swait.ge [sflag:s4], $0x0  }
0x19: {  	s7 =	sld [smem:$0x3FA0]  }
0x1a: {  	s8 =	sadd.s32 $0xFFFFE003, lr  }
0x1b: {  	s9 =	sadd.s32 $0xFFFFFEF7, lr;
	s5 =	simm.s32 $0xFFFFFFFF;
	p2 =	slt.u32 s8, $0xFFFFF086  }
0x1c: {  	p1 =	slt.u32 s9, $0xF7A;
	s5 =	simm.s32 @!p2 $0x0  }
0x1d: {  	s5 =	simm.s32 @p1 $0x1;
	p0 =	seq.s32 s7, s2  }
0x1e: {  	s7 =	smul.u32 @!p0 $0xF7A, s2;
	p2 =	seq.s32 @!p0 s5, $0x0  }
0x1f: {  	s9 =	smul.u32 $0xF7A, s1;
	s8 =	simm.s32 @!p0 $0x1BF5;
	p2 =	por !p2, p0  }
0x20: {  	[sflag:s8] =	ssyncset.s32 @!p0 $0xFFFFF086;
	s6 =	sadd.s32 @!p0 s3, s7;
	s7 =	simm.s32 @!p0 $0x108  }
0x21: {  	s3 =	sadd.s32 s3, s9;
	s6 =	sadd.s32 @!p0 $0x88, s6;
	s7 =	simm.s32 @p2 $0x1082  }
0x22: {  	[simem:s7], [sflag:s8] =	dma.local @!p0 [hbm:s6], $0xF7A  }
0x23: {  	s9 =	sor.u32 $0xD0000000, s2;
	s6 =	simm.s32 $0x108;
	_ =	swait.ge @!p0 [sflag:s8], $0x0  }
0x24: {  	s3 =	sadd.s32 $0x88, s3;
	s6 =	simm.s32 @!p1 $0x1082;
	[sflag:s4] =	ssyncset.s32 $0xFFFFF086  }
0x25: {  	[simem:s6], [sflag:s4] =	dma.local [hbm:s3], $0xF7A  }
0x26: {  	[smem:$0x3FA0] =	sst s1;
	(tag) =	ssettag s2;
	_ =	strace s9  }
0x27: {  	s1 =	sld [smem:$0x3FB0]  }
0x28: {  	s2 =	sld [smem:$0x3FB1]  }
0x29: {  	s4 =	sld [smem:$0x3FB3]  }
0x2a: {  	p0 =	seq.s32 s5, $0x0;
	s5 =	sld [smem:$0x3FB4]  }
0x2b: {  	s6 =	sld [smem:$0x3FB5]  }
0x2c: {  	s7 =	sld [smem:$0x3FB6]  }
0x2d: {  	s3 =	simm.s32 $0x108;
	s8 =	sld [smem:$0x3FB7]  }
0x2e: {  	s3 =	simm.s32 @!p0 $0x1082;
	s9 =	sld [smem:$0x3FB8]  }
0x2f: {  	lr =	sadd.s32 s0, s3;
	s0 =	sld [smem:$0x3FAF]  }
0x30: {  	s3 =	sld [smem:$0x3FB2]  }
0x31: {  	[smem:$0x3FBB] =	sst s10  }
0x32: {  	s10 =	sld [smem:$0x3FB9];
	_ =	sdelay $0x3  }
0x33: {  	p0 =	seq.s32 s10, $0x1;
	s10 =	sld [smem:$0x3FBB];
	_ =	sdelay $0x3  }
0x34: {  	[smem:$0x3FBB] =	sst s10  }
0x35: {  	s10 =	sld [smem:$0x3FBA];
	_ =	sdelay $0x3  }
0x36: {  	p1 =	seq.s32 s10, $0x1;
	s10 =	sld [smem:$0x3FBB];
	_ =	sdelay $0x3  }
0x37: {  	[smem:$0x3FBB] =	sst s10  }
0x38: {  	s10 =	sld [smem:$0x3FBC]  }
0x39: {  	_ = 	snop;
	(pc) =	sbr.ind lr, $3  }
0x3a: {  	_ = 	snop  }
0x3b: {  	_ = 	snop  }
0x3c: {  	p2 =	seq.s32 s10, $0x1;
	s10 =	sld [smem:$0x3FBB]  }
0x3d: {  	_ =	shalt  }
0x3e: {  	_ =	shalt  }
0x3f: {  	_ =	shalt  }
0x40: {  	_ =	shalt  }
0x41: {  	_ =	shalt  }
0x42: {  	_ =	shalt  }
0x43: {  	_ =	shalt  }
0x44: {  	_ =	shalt  }
0x45: {  	_ =	shalt  }
0x46: {  	_ =	shalt  }
0x47: {  	_ =	shalt  }
0x48: {  	_ =	shalt  }
0x49: {  	_ =	shalt  }
0x4a: {  	_ =	shalt  }
0x4b: {  	_ =	shalt  }
0x4c: {  	_ =	shalt  }
0x4d: {  	_ =	shalt  }
0x4e: {  	_ =	shalt  }
0x4f: {  	_ =	shalt  }
0x50: {  	_ =	shalt  }
0x51: {  	_ =	shalt  }
0x52: {  	_ =	shalt  }
0x53: {  	_ =	shalt  }
0x54: {  	_ =	shalt  }
0x55: {  	_ =	shalt  }
0x56: {  	_ =	shalt  }
0x57: {  	_ =	shalt  }
0x58: {  	_ =	shalt  }
0x59: {  	_ =	shalt  }
0x5a: {  	_ =	shalt  }
0x5b: {  	_ =	shalt  }
0x5c: {  	_ =	shalt  }
0x5d: {  	_ =	shalt  }
0x5e: {  	_ =	shalt  }
0x5f: {  	_ =	shalt  }
0x60: {  	_ =	shalt  }
0x61: {  	_ =	shalt  }
0x62: {  	_ =	shalt  }
0x63: {  	_ =	shalt  }
0x64: {  	_ =	shalt  }
0x65: {  	_ =	shalt  }
0x66: {  	_ =	shalt  }
0x67: {  	_ =	shalt  }
0x68: {  	_ =	shalt  }
0x69: {  	_ =	shalt  }
0x6a: {  	_ =	shalt  }
0x6b: {  	_ =	shalt  }
0x6c: {  	_ =	shalt  }
0x6d: {  	_ =	shalt  }
0x6e: {  	_ =	shalt  }
0x6f: {  	_ =	shalt  }
0x70: {  	_ =	shalt  }
0x71: {  	_ =	shalt  }
0x72: {  	_ =	shalt  }
0x73: {  	_ =	shalt  }
0x74: {  	_ =	shalt  }
0x75: {  	_ =	shalt  }
0x76: {  	_ =	shalt  }
0x77: {  	_ =	shalt  }
0x78: {  	_ =	shalt  }
0x79: {  	_ =	shalt  }
0x7a: {  	_ =	shalt  }
0x7b: {  	_ =	shalt  }
0x7c: {  	_ =	shalt  }
0x7d: {  	_ =	shalt  }
0x7e: {  	_ =	shalt  }
0x7f: {  	_ =	shalt  }
0x80: {  	_ =	shalt  }
0x81: {  	_ =	shalt  }
0x82: {  	_ =	shalt  }
0x83: {  	_ =	shalt  }
0x84: {  	_ =	shalt  }
0x85: {  	_ =	shalt  }
0x86: {  	_ =	shalt  }
0x87: {  	_ =	shalt  }
.Lfunc_end0:
.L_simem_size_0:
called_computation_lowered:
.L_overlay_start_0:
0x88: {  	s0 =	sld [smem:$0x3FD9]  }
0x89: {  	s1 =	sld [smem:$0x3FFE];
	_ =	sdelay $0x3  }
0x8a: {  	s0 =	sadd.s32 s1, s0  }
0x8b: {  	[smem:$0x3FC7] =	sst s0  }
0x8c: {  	_ = 	snop  }
0x8d: {  	s0 =	sld [smem:$0x3FC9];
	(tm) =	ssettm $0x1  }
0x8e: {  	s16 =	sld [smem:$0x3FFB];
	_ =	sdelay $0x3  }
0x8f: {  	_ =	strace s16  }
0x90: {  	s1 =	sld [smem:$0x3FFC];
	_ =	sdelay $0x3  }
0x91: {  	_ =	strace s1  }
0x92: {  	s1 =	sld [smem:$0x3FFD];
	_ =	sdelay $0x3  }
0x93: {  	_ =	strace s1  }
0x94: {  	_ =	strace $0x8FFFFFFF  }
0x95: {  	s17 =	sld [smem:$0x3FDB];
	_ =	sdelay $0x1  }
0x96: {  	s2 =	simm.s32 $_scs_section_size  }
0x97: {  	s3 =	simm.s32 $_size__tile_overlayer_lowered;
	s4 =	simm.s32 $_tile_overlayer_lowered  }
0x98: {  	s20 =	simm.s32 $0x1BFF;
	s19 =	sshll.u32 s4, $0x1;
	s1 =	sadd.s32 s2, s17  }
0x99: {  	s5 =	simm.s32 $0x0;
	s18 =	sshll.u32 s3, $0x1;
	s3 =	sadd.s32 s19, s1  }
0x9a: {  	[timem:s5], [sflag:s20] =	dma.local [hbm:s3], s18  }
0x9b: {  	_ =	swait.ge [sflag:s20], s18  }
0x9c: {  	s2 =	ssub.s32 $0x0, s18;
	[sflag:s20] =	ssyncset.done $0x0  }
0x9d: {  	[sflag:s20] =	ssyncadd.s32 s2;
	_ =	sdelay $0x1  }
0x9e: {  	s21 =	simm.s32 $0x1B8B  }
0x9f: {  	_ =	swait.ge [sflag:s21], $0x1  }
0xa0: {  	[sflag:s21] =	ssyncset.done $0x0  }
0xa1: {  	s23 =	simm.s32 $0x1B8E;
	s22 =	sld [smem:$0x3FFE];
	[sflag:s21] =	ssyncadd.s32 $0xFFFFFFFF  }
0xa2: {  	s24 =	simm.s32 $execute0_lowered;
	[smem:$0x3FD2] =	sst s23  }
0xa3: {  	s3 =	sshll.u32 s24, $0x1;
	_ =	strace $0x80000046;
	[dreg:$0x1] =	wrdreg $0xFFFFFFFF  }
0xa4: {  	s25 =	simm.s32 $_size_execute0_lowered;
	s1 =	sadd.s32 s1, s3;
	[dreg:$0x0] =	wrdreg $0x0  }
0xa5: {  	s3 =	sshll.u32 s25, $0x1;
	[dreg:$0x2] =	wrdreg s1  }
0xa6: {  	[dreg:$0x3] =	wrdreg s3  }
0xa7: {  	[dreg:$0x4] =	wrdreg $0xC0  }
0xa8: {  	_ =	task [dreg:s5], $0x5FFFF  }
0xa9: {  	[dreg:$0x1] =	wrdreg $0xFFFFFFFF  }
0xaa: {  	[dreg:$0x0] =	wrdreg $0x60  }
0xab: {  	[dreg:$0x2] =	wrdreg s0  }
0xac: {  	[dreg:$0x3] =	wrdreg s22  }
0xad: {  	[dreg:$0x4] =	wrdreg $0x9  }
0xae: {  	_ =	task.clear_ibuf [dreg:s5], $0x5FFFF;
	_ =	strace $0x90000046  }
0xaf: {  	s26 =	simm.s32 $0x9;
	_ =	strace $0x80000048  }
0xb0: {  	_ =	swait.ge [sflag:s26], $0x1  }
0xb1: {  	[sflag:s26] =	ssyncadd.s32 $0xFFFFFFFF  }
0xb2: {  	_ =	strace $0x90000048  }
0xb3: {  	_ =	sfence  }
0xb4: {  	s28 =	sld [smem:$0x0];
	_ =	sdelay $0x1  }
0xb5: {  	s29 =	srdreg.scid  }
0xb6: {  	s30 =	sshll.u32 s29, $0xD;
	s31 =	sshrl.u32 s29, $0x2  }
0xb7: {  	s2 =	sand.u32 $0x4000, s30;
	s1 =	sand.u32 $0x1, s29;
	s0 =	sadd.s32 s31, s28  }
0xb8: {  	s1 =	sor.u32 s2, s1;
	s0 =	sshll.u32 s0, $0x11  }
0xb9: {  	s0 =	sor.u32 s0, s1  }
0xba: {  	s0 =	sadd.s32 $0x8F2B, s0  }
0xbb: {  	[sflag:s0] =	ssyncadd.remote.s32 $0x1  }
0xbc: {  	_ =	sfence.sel $0xFFFF  }
0xbd: {  	[dreg:$0x0] =	wrdreg $0xFFFFFFFF;
	(pc) =	sbr.abs _section_cstart, $3  }
0xbe: {  	[dreg:$0x1] =	wrdreg $0xFFFFFFFF  }
0xbf: {  	_ =	task.clear_ibuf [dreg:s5], $0x2FFFF;
	_ =	strace $0x9FFFFFFF  }
0xc0: {  	(tm) =	ssettm $0x7FFFFFFF  }
0xc1: {  	_ =	shalt  }
tec
execute0_lowered:
.L_overlay_start_1:
0x0: {  	(tag) =	ssettag $0x1  }
0x1: {  	s0 =	stileid.u32  }
0x2: {  	s1 =	sshrl.u32 s0, $0x2  }
0x3: {  	v0 =	vlaneseq.u32;
	s2 =	sshll.u32 s1, $0x4  }
0x4: {  	v1 =	vor.u32 s2, v0  }
0x5: {  	v1 =	vmin.u32 v1, $0x31  }
0x6: {  	v1 =	vmul.u32 $0x3E80, v1  }
0x7: {  	v2 =	vand.u32 $0x7, v0;
	v3 =	vshrl.u32 v0, $0x3  }
0x8: {  	v3 =	vmul.u32 $0x8, v3;
	v2 =	vperm.xlane v1, v2  }
0x9: {  	v0 =	vor.u32 $0x8, v0  }
0xa: {  	v0 =	vperm.xlane v1, v0;
	v2 =	vadd.s32 v3, v2  }
0xb: {  	s28 =	rddreg [dreg:$0x0]  }
0xc: {  	s3 =	rddreg [dreg:$0x1];
	s5 =	simm.s32 $0x0;
	s6 =	sshll.u32 s0, $0x8;
	v0 =	vadd.s32 v3, v0  }
0xd: {  	[smem:$0x7FF] =	sst s5;
	s6 =	sand.u32 $0x300, s6  }
0xe: {  	s4 =	rddreg [dreg:$0x2];
	vm0 =	vmmov $0xffff;
	_ =	strace $0x80000047;
	s2 =	sadd.s32 s28, s6  }
0xf: {  	[tilespmem:s5], [sflag:$0x1] =	stream.indirect_vreg.gather [hbm4b:s2+s5], $0x80, v2, vm0, $0xb8;
	[tilespmem:$0x1000] =	vst v63  }
0x10: {  	s7 =	simm.s32 $0x800;
	s29 =	simm.s32 $0x1  }
0x11: {  	[tilespmem:s7], [sflag:$0x1] =	stream.indirect_vreg.gather [hbm4b:s2+s5], $0x80, v0, vm0, $0xb8;
	[tilespmem:$0x1000] =	vst v63  }
0x12: {  	s1 =	sshll.u32 s1, $0xB;
	s3 =	sadd.s32 s6, s3;
	_ =	swait.ge [sflag:s29], $0x1000  }
0x13: {  	s30 =	simm.s32 $0x2000;
	s1 =	sadd.s32 s1, s3;
	[sflag:s29] =	ssyncset.done $0x0  }
0x14: {  	s31 =	simm.s32 $0x2;
	s1 =	sadd.s32 $0x400, s1;
	[sflag:s29] =	ssyncadd.s32 $0xFFFFF000  }
0x15: {  	[hbm4b:s1+s7] =	stream.strided.scatter [tilespmem:s5], [sflag:$0x2], $0x1000, s30, s7, $0x38;
	[tilespmem:$0x1000] =	vst v63  }
0x16: {  	_ =	swait.ge [sflag:s31], $0x1000  }
0x17: {  	[sflag:s31] =	ssyncset.done $0x0  }
0x18: {  	[sflag:s31] =	ssyncadd.s32 $0xFFFFF000  }
0x19: {  	_ =	sfence.sel $0x180000  }
0x1a: {  	[bflag:$0x0] =	sbarrier.arrive $0xFFFF  }
0x1b: {  	p0 =	sne.s32 s0, $0x0;
	_ =	strace $0x90000047  }
0x1c: {  	s0 =	sadd.s32 @!p0 $0x100000, s4;
	[bflag:$0x2] =	sbarrier.arrive $0xFFFF  }
0x1d: {  	[sflag:s0] =	ssyncadd.tile.s32 @!p0 $0x1;
	_ =	shalt  }
.Lfunc_end2:
_tile_overlayer_lowered:
.L_overlay_start_2:
0x1e: {  	(tag) =	ssettag $0x2  }
0x1f: {  	s0 =	rddreg [dreg:$0x0];
	s2 =	stileid.u32  }
0x20: {  	s1 =	rddreg [dreg:$0x1];
	p0 =	sne.s32 s2, $0x0  }
0x21: {  	s3 =	rddreg [dreg:$0x2];
	[bflag:$0x3] =	sbarrier.arrive $0xFFFF;
	s2 =	simm.s32 @!p0 $0x1C02  }
0x22: {  	[timem:s3], [sflag:s2] =	dma.local @!p0 [hbm:s0], s1  }
0x23: {  	s0 =	simm.s32 @!p0 $0x2  }
0x24: {  	_ =	swait.ge @!p0 [sflag:s0], s1  }
0x25: {  	s1 =	ssub.s32 @!p0 $0x0, s1;
	[sflag:s0] =	ssyncset.done @!p0 $0x0  }
0x26: {  	[sflag:s0] =	ssyncadd.s32 @!p0 s1  }
0x27: {  	[bflag:$0x3] =	sbarrier.arrive $0xFFFF  }
0x28: {  	_ =	shalt  }

</sc_bundles>
